<compile_context>
chip_gen: v7x
topology: tpu7x:2x2x1
jax: 0.10.2.dev20260603
libtpu: 0.0.44.dev20260713+nightly
codegen_flags: <defaults>
</compile_context>

<pallas_src>
import functools

import jax
import jax.numpy as jnp
from jax import lax
from jax.experimental import pallas as pl
from jax.experimental.pallas import tpu as pltpu
from jax.experimental.pallas import tpu_sc as plsc

D = 1024
SEQ = 4096
BATCH = 4
NW = 32
SW = SEQ // NW
T = 16
NT = SW // T
LANES = 16
NI = NT * BATCH

_mesh = plsc.VectorSubcoreMesh(core_axis_name="c", subcore_axis_name="s")


@functools.partial(
    pl.kernel,
    mesh=_mesh,
    out_type=jax.ShapeDtypeStruct((BATCH * SEQ, D), jnp.float32),
    scratch_types=[
        pltpu.VMEM((2, T, D), jnp.float32),
        pltpu.VMEM((3, T, D), jnp.float32),
        pltpu.VMEM((2, T, D), jnp.float32),
        pltpu.VMEM((2, T), jnp.int32),
        pltpu.VMEM((LANES,), jnp.int32),
        pltpu.SemaphoreType.DMA((2,)),
        pltpu.SemaphoreType.DMA((3,)),
        pltpu.SemaphoreType.DMA((2,)),
    ],
)
def _sc_pe_add(x_hbm, pe_hbm, sp_hbm, out_hbm, pebuf, xbuf, obuf, idxbuf,
               spbuf, gsem, xsem, osem):
    wid = lax.axis_index("s") * 2 + lax.axis_index("c")
    s0 = wid * SW
    pltpu.sync_copy(sp_hbm, spbuf)
    vsp = spbuf[...]

    def pe_gather(t):
        slot = lax.rem(t, 2)
        idxbuf[slot, :] = vsp + lax.iota(jnp.int32, LANES) + (s0 + t * T)
        return pltpu.make_async_copy(
            pe_hbm.at[idxbuf.at[slot]], pebuf.at[slot], gsem.at[slot]
        )

    def pe_wait(t):
        slot = lax.rem(t, 2)
        return pltpu.make_async_copy(
            pe_hbm.at[idxbuf.at[slot]], pebuf.at[slot], gsem.at[slot]
        )

    def x_copy(k):
        t = lax.div(k, BATCH)
        b = lax.rem(k, BATCH)
        slot = lax.rem(k, 3)
        return pltpu.make_async_copy(
            x_hbm.at[pl.ds(b * SEQ + s0 + t * T, T)],
            xbuf.at[slot],
            xsem.at[slot],
        )

    def o_copy(k):
        t = lax.div(k, BATCH)
        b = lax.rem(k, BATCH)
        slot = lax.rem(k, 2)
        return pltpu.make_async_copy(
            obuf.at[slot],
            out_hbm.at[pl.ds(b * SEQ + s0 + t * T, T)],
            osem.at[slot],
        )

    pe_gather(jnp.int32(0)).start()
    x_copy(jnp.int32(0)).start()
    x_copy(jnp.int32(1)).start()
    x_copy(jnp.int32(2)).start()

    def item(k, _):
        t = lax.div(k, BATCH)
        b = lax.rem(k, BATCH)
        slot = lax.rem(k, 2)
        xslot = lax.rem(k, 3)
        pslot = lax.rem(t, 2)

        @pl.when(b == 0)
        def _():
            pe_wait(t).wait()

        @pl.when(jnp.logical_and(b == 0, t + 1 < NT))
        def _():
            pe_gather(t + 1).start()

        @pl.when(k >= 2)
        def _():
            o_copy(k - 2).wait()

        x_copy(k).wait()

        @plsc.parallel_loop(0, T * (D // LANES), step=1, unroll=8)
        def add_group(g):
            r = lax.div(g, D // LANES)
            sl = pl.ds(lax.rem(g, D // LANES) * LANES, LANES)
            obuf[slot, r, sl] = xbuf[xslot, r, sl] + pebuf[pslot, r, sl]
        o_copy(k).start()

        @pl.when(k + 3 < NI)
        def _():
            x_copy(k + 3).start()

        return 0

    lax.fori_loop(0, NI, item, 0)
    o_copy(jnp.int32(NI - 2)).wait()
    o_copy(jnp.int32(NI - 1)).wait()


@jax.jit
def _pe_add(x, pos_embedding, sp16):
    batch, seq, d = x.shape
    xf = x.reshape(batch * seq, d)
    out = _sc_pe_add(xf, pos_embedding, sp16)
    return out.reshape(x.shape)


def kernel(x, pos_embedding, start_pos):
    sp16 = jnp.full((LANES,), start_pos, dtype=jnp.int32)
    return _pe_add(x, pos_embedding, sp16)

# --- scband reference (transcript-rebuilt; emitter-appended) ---
"""Pipeline reference for scband-positional-encoding-86689619903345 (READ-ONLY COPY).

The authoritative reference and input builder live on the scoring server;
editing this copy changes nothing except your own understanding.
"""

import jax, jax.numpy as jnp
import numpy as np

D_MODEL = 1024
MAX_SEQ = 8192
BATCH = 4
SEQ = 4096

def setup_inputs(seed: int = 0) -> dict:
    key = jax.random.key(seed)
    k_x, k_emb = jax.random.split(key)
    x = jax.random.normal(k_x, (BATCH, SEQ, D_MODEL), dtype=jnp.float32)
    pos_embedding = jax.random.normal(k_emb, (MAX_SEQ, D_MODEL), dtype=jnp.float32) * 0.02
    return {"x": x, "pos_embedding": pos_embedding, "start_pos": 0}

def reference(x, pos_embedding, start_pos):
    batch_size, seq_length, _ = x.shape
    positions = jnp.arange(seq_length, dtype=jnp.int32) + jnp.asarray(start_pos, dtype=jnp.int32)
    pos_encoding = jnp.take(pos_embedding, positions, axis=0)[None, :, :]
    out = x + jnp.broadcast_to(pos_encoding, (batch_size, seq_length, pos_encoding.shape[-1]))
    # dropout p=0.0 -> identity
    return out

if __name__ == "__main__":
    import jax
    _d = setup_inputs()
    print(jax.jit(kernel)(*tuple(_d.values())))

</pallas_src>

<mosaic_0001>
#map = affine_map<(d0, d1) -> (0, 0)>
#map1 = affine_map<(d0, d1) -> (0)>
module attributes {stable_mosaic.version = 14 : i64} {
  func.func @_sc_pe_add(%arg0: i32, %arg1: i32, %arg2: memref<16384x1024xf32, #tpu.memory_space<hbm>>, %arg3: memref<8192x1024xf32, #tpu.memory_space<hbm>>, %arg4: memref<16xi32, #tpu.memory_space<hbm>>, %arg5: memref<16384x1024xf32, #tpu.memory_space<hbm>>, %arg6: memref<2x16x1024xf32, #tpu.memory_space<vmem>>, %arg7: memref<3x16x1024xf32, #tpu.memory_space<vmem>>, %arg8: memref<2x16x1024xf32, #tpu.memory_space<vmem>>, %arg9: memref<2x16xi32, #tpu.memory_space<vmem>>, %arg10: memref<16xi32, #tpu.memory_space<vmem>>, %arg11: memref<2x!tpu.dma_semaphore, #tpu.memory_space<semaphore_mem>>, %arg12: memref<3x!tpu.dma_semaphore, #tpu.memory_space<semaphore_mem>>, %arg13: memref<2x!tpu.dma_semaphore, #tpu.memory_space<semaphore_mem>>) attributes {dimension_semantics = [#tpu.dimension_semantics<core_parallel>, #tpu.dimension_semantics<subcore_parallel>], iteration_bounds = array<i64: 2, 16>, scalar_prefetch = 0 : i64, scratch_operands = 8 : i64, tpu.core_type = #tpu.core_type<sc_vector_subcore>, window_params = [{transform_indices = #map}, {transform_indices = #map}, {transform_indices = #map1}, {transform_indices = #map}]} {
    %mul3A = arith.constant 2 : i32
    %mul3A_0 = arith.muli %arg1, %mul3A : i32
    %add3A = arith.addi %mul3A_0, %arg0 : i32
    %mul3A_1 = arith.constant 128 : i32
    %mul3A_2 = arith.muli %add3A, %mul3A_1 : i32
    "tpu.region"() ({
      %run_scoped3A = tpu.sem_alloc : memref<!tpu.dma_semaphore, #tpu.memory_space<semaphore_mem>>
      tpu.enqueue_dma source(%arg4 : memref<16xi32, #tpu.memory_space<hbm>>) target(%arg10 : memref<16xi32, #tpu.memory_space<vmem>>) target_semaphore(%run_scoped3A : memref<!tpu.dma_semaphore, #tpu.memory_space<semaphore_mem>>)
      tpu.wait_dma2 semaphore(%run_scoped3A : memref<!tpu.dma_semaphore, #tpu.memory_space<semaphore_mem>>) src(%arg4 : memref<16xi32, #tpu.memory_space<hbm>>) dst(%arg10 : memref<16xi32, #tpu.memory_space<vmem>>)
      tpu.yield
    }) : () -> ()
    %get3A = arith.constant 0 : index
    %get3A_3 = tpu.vector_load %arg10[%get3A] {strides = array<i32>} : memref<16xi32, #tpu.memory_space<vmem>>, vector<16xi32>,
    %get3A_4 = vector.shape_cast %get3A_3 : vector<16xi32> to vector<16xi32>
    %rem3A = arith.constant 0 : i32
    %rem3A_5 = arith.constant 2 : i32
    %rem3A_6 = arith.remsi %rem3A, %rem3A_5 : i32
    %iota3A = tpu.iota {dimensions = array<i32: 0>} : vector<16xi32>
    %add3A_7 = arith.addi %get3A_4, %iota3A : vector<16xi32>
    %mul3A_8 = arith.constant 0 : i32
    %mul3A_9 = arith.constant 16 : i32
    %mul3A_10 = arith.muli %mul3A_8, %mul3A_9 : i32
    %add3A_11 = arith.addi %mul3A_2, %mul3A_10 : i32
    %add3A_12 = vector.broadcast %add3A_11 : i32 to vector<16xi32>
    %add3A_13 = arith.addi %add3A_7, %add3A_12 : vector<16xi32>
    %swap3A = arith.index_cast %rem3A_6 : i32 to index
    %swap3A_14 = arith.constant 0 : index
    %swap3A_15 = tpu.vector_load %arg9[%swap3A, %swap3A_14] {strides = array<i32>} : memref<2x16xi32, #tpu.memory_space<vmem>>, vector<1x16xi32>,
    %swap3A_16 = vector.shape_cast %swap3A_15 : vector<1x16xi32> to vector<16xi32>
    %swap3A_17 = vector.shape_cast %add3A_13 : vector<16xi32> to vector<1x16xi32>
    tpu.vector_store %arg9[%swap3A, %swap3A_14], %swap3A_17 {strides = array<i32>} : memref<2x16xi32, #tpu.memory_space<vmem>>, vector<1x16xi32>,
    %dma_start3A = arith.constant 0 : i32
    %dma_start3A_18 = arith.constant 0 : i32
    %dma_start3A_19 = tpu.memref_slice %arg6[%rem3A_6, %dma_start3A, %dma_start3A_18] : memref<2x16x1024xf32, #tpu.memory_space<vmem>> -> memref<1x16x1024xf32, #tpu.memory_space<vmem>>
    %dma_start3A_20 = tpu.memref_squeeze %dma_start3A_19 : memref<1x16x1024xf32, #tpu.memory_space<vmem>> -> memref<16x1024xf32, #tpu.memory_space<vmem>>
    %dma_start3A_21 = arith.constant 0 : i32
    %dma_start3A_22 = tpu.memref_slice %arg9[%rem3A_6, %dma_start3A_21] : memref<2x16xi32, #tpu.memory_space<vmem>> -> memref<1x16xi32, #tpu.memory_space<vmem>>
    %dma_start3A_23 = tpu.memref_squeeze %dma_start3A_22 : memref<1x16xi32, #tpu.memory_space<vmem>> -> memref<16xi32, #tpu.memory_space<vmem>>
    %dma_start3A_24 = arith.constant 0 : i32
    %dma_start3A_25 = arith.constant 0 : i32
    %dma_start3A_26 = tpu.memref_slice %arg3[%dma_start3A_24, %dma_start3A_25] : memref<8192x1024xf32, #tpu.memory_space<hbm>> -> memref<8192x1024xf32, #tpu.memory_space<hbm>>
    %dma_start3A_27 = tpu.memref_slice %arg11[%rem3A_6] : memref<2x!tpu.dma_semaphore, #tpu.memory_space<semaphore_mem>> -> memref<1x!tpu.dma_semaphore, #tpu.memory_space<semaphore_mem>>
    %dma_start3A_28 = tpu.memref_squeeze %dma_start3A_27 : memref<1x!tpu.dma_semaphore, #tpu.memory_space<semaphore_mem>> -> memref<!tpu.dma_semaphore, #tpu.memory_space<semaphore_mem>>
    tpu.enqueue_indirect_dma source(%dma_start3A_26 : memref<8192x1024xf32, #tpu.memory_space<hbm>>) target(%dma_start3A_20 : memref<16x1024xf32, #tpu.memory_space<vmem>>) offsets(%dma_start3A_23 : memref<16xi32, #tpu.memory_space<vmem>>) semaphore(%dma_start3A_28 : memref<!tpu.dma_semaphore, #tpu.memory_space<semaphore_mem>>)
    %div3A = arith.constant 0 : i32
    %div3A_29 = arith.constant 4 : i32
    %div3A_30 = arith.divsi %div3A, %div3A_29 : i32
    %rem3A_31 = arith.constant 0 : i32
    %rem3A_32 = arith.constant 4 : i32
    %rem3A_33 = arith.remsi %rem3A_31, %rem3A_32 : i32
    %rem3A_34 = arith.constant 0 : i32
    %rem3A_35 = arith.constant 3 : i32
    %rem3A_36 = arith.remsi %rem3A_34, %rem3A_35 : i32
    %mul3A_37 = arith.constant 4096 : i32
    %mul3A_38 = arith.muli %rem3A_33, %mul3A_37 : i32
    %add3A_39 = arith.addi %mul3A_38, %mul3A_2 : i32
    %mul3A_40 = arith.constant 16 : i32
    %mul3A_41 = arith.muli %div3A_30, %mul3A_40 : i32
    %add3A_42 = arith.addi %add3A_39, %mul3A_41 : i32
    %dma_start3A_43 = arith.constant 0 : i32
    %dma_start3A_44 = arith.constant 0 : i32
    %dma_start3A_45 = tpu.memref_slice %arg7[%rem3A_36, %dma_start3A_43, %dma_start3A_44] : memref<3x16x1024xf32, #tpu.memory_space<vmem>> -> memref<1x16x1024xf32, #tpu.memory_space<vmem>>
    %dma_start3A_46 = tpu.memref_squeeze %dma_start3A_45 : memref<1x16x1024xf32, #tpu.memory_space<vmem>> -> memref<16x1024xf32, #tpu.memory_space<vmem>>
    %dma_start3A_47 = arith.constant 0 : i32
    %dma_start3A_48 = tpu.memref_slice %arg2[%add3A_42, %dma_start3A_47] : memref<16384x1024xf32, #tpu.memory_space<hbm>> -> memref<16x1024xf32, #tpu.memory_space<hbm>>
    %dma_start3A_49 = tpu.memref_slice %arg12[%rem3A_36] : memref<3x!tpu.dma_semaphore, #tpu.memory_space<semaphore_mem>> -> memref<1x!tpu.dma_semaphore, #tpu.memory_space<semaphore_mem>>
    %dma_start3A_50 = tpu.memref_squeeze %dma_start3A_49 : memref<1x!tpu.dma_semaphore, #tpu.memory_space<semaphore_mem>> -> memref<!tpu.dma_semaphore, #tpu.memory_space<semaphore_mem>>
    %dma_start3A_51 = arith.constant 0 : i32
    %dma_start3A_52 = arith.constant 0 : i32
    %dma_start3A_53 = tpu.memref_slice %arg7[%rem3A_36, %dma_start3A_51, %dma_start3A_52] : memref<3x16x1024xf32, #tpu.memory_space<vmem>> -> memref<1x16x1024xf32, #tpu.memory_space<vmem>>
    %dma_start3A_54 = tpu.memref_squeeze %dma_start3A_53 : memref<1x16x1024xf32, #tpu.memory_space<vmem>> -> memref<16x1024xf32, #tpu.memory_space<vmem>>
    %dma_start3A_55 = arith.constant 0 : i32
    %dma_start3A_56 = tpu.memref_slice %arg2[%add3A_42, %dma_start3A_55] : memref<16384x1024xf32, #tpu.memory_space<hbm>> -> memref<16x1024xf32, #tpu.memory_space<hbm>>
    tpu.enqueue_dma source(%dma_start3A_56 : memref<16x1024xf32, #tpu.memory_space<hbm>>) target(%dma_start3A_54 : memref<16x1024xf32, #tpu.memory_space<vmem>>) target_semaphore(%dma_start3A_50 : memref<!tpu.dma_semaphore, #tpu.memory_space<semaphore_mem>>)
    %div3A_57 = arith.constant 1 : i32
    %div3A_58 = arith.constant 4 : i32
    %div3A_59 = arith.divsi %div3A_57, %div3A_58 : i32
    %rem3A_60 = arith.constant 1 : i32
    %rem3A_61 = arith.constant 4 : i32
    %rem3A_62 = arith.remsi %rem3A_60, %rem3A_61 : i32
    %rem3A_63 = arith.constant 1 : i32
    %rem3A_64 = arith.constant 3 : i32
    %rem3A_65 = arith.remsi %rem3A_63, %rem3A_64 : i32
    %mul3A_66 = arith.constant 4096 : i32
    %mul3A_67 = arith.muli %rem3A_62, %mul3A_66 : i32
    %add3A_68 = arith.addi %mul3A_67, %mul3A_2 : i32
    %mul3A_69 = arith.constant 16 : i32
    %mul3A_70 = arith.muli %div3A_59, %mul3A_69 : i32
    %add3A_71 = arith.addi %add3A_68, %mul3A_70 : i32
    %dma_start3A_72 = arith.constant 0 : i32
    %dma_start3A_73 = arith.constant 0 : i32
    %dma_start3A_74 = tpu.memref_slice %arg7[%rem3A_65, %dma_start3A_72, %dma_start3A_73] : memref<3x16x1024xf32, #tpu.memory_space<vmem>> -> memref<1x16x1024xf32, #tpu.memory_space<vmem>>
    %dma_start3A_75 = tpu.memref_squeeze %dma_start3A_74 : memref<1x16x1024xf32, #tpu.memory_space<vmem>> -> memref<16x1024xf32, #tpu.memory_space<vmem>>
    %dma_start3A_76 = arith.constant 0 : i32
    %dma_start3A_77 = tpu.memref_slice %arg2[%add3A_71, %dma_start3A_76] : memref<16384x1024xf32, #tpu.memory_space<hbm>> -> memref<16x1024xf32, #tpu.memory_space<hbm>>
    %dma_start3A_78 = tpu.memref_slice %arg12[%rem3A_65] : memref<3x!tpu.dma_semaphore, #tpu.memory_space<semaphore_mem>> -> memref<1x!tpu.dma_semaphore, #tpu.memory_space<semaphore_mem>>
    %dma_start3A_79 = tpu.memref_squeeze %dma_start3A_78 : memref<1x!tpu.dma_semaphore, #tpu.memory_space<semaphore_mem>> -> memref<!tpu.dma_semaphore, #tpu.memory_space<semaphore_mem>>
    %dma_start3A_80 = arith.constant 0 : i32
    %dma_start3A_81 = arith.constant 0 : i32
    %dma_start3A_82 = tpu.memref_slice %arg7[%rem3A_65, %dma_start3A_80, %dma_start3A_81] : memref<3x16x1024xf32, #tpu.memory_space<vmem>> -> memref<1x16x1024xf32, #tpu.memory_space<vmem>>
    %dma_start3A_83 = tpu.memref_squeeze %dma_start3A_82 : memref<1x16x1024xf32, #tpu.memory_space<vmem>> -> memref<16x1024xf32, #tpu.memory_space<vmem>>
    %dma_start3A_84 = arith.constant 0 : i32
    %dma_start3A_85 = tpu.memref_slice %arg2[%add3A_71, %dma_start3A_84] : memref<16384x1024xf32, #tpu.memory_space<hbm>> -> memref<16x1024xf32, #tpu.memory_space<hbm>>
    tpu.enqueue_dma source(%dma_start3A_85 : memref<16x1024xf32, #tpu.memory_space<hbm>>) target(%dma_start3A_83 : memref<16x1024xf32, #tpu.memory_space<vmem>>) target_semaphore(%dma_start3A_79 : memref<!tpu.dma_semaphore, #tpu.memory_space<semaphore_mem>>)
    %div3A_86 = arith.constant 2 : i32
    %div3A_87 = arith.constant 4 : i32
    %div3A_88 = arith.divsi %div3A_86, %div3A_87 : i32
    %rem3A_89 = arith.constant 2 : i32
    %rem3A_90 = arith.constant 4 : i32
    %rem3A_91 = arith.remsi %rem3A_89, %rem3A_90 : i32
    %rem3A_92 = arith.constant 2 : i32
    %rem3A_93 = arith.constant 3 : i32
    %rem3A_94 = arith.remsi %rem3A_92, %rem3A_93 : i32
    %mul3A_95 = arith.constant 4096 : i32
    %mul3A_96 = arith.muli %rem3A_91, %mul3A_95 : i32
    %add3A_97 = arith.addi %mul3A_96, %mul3A_2 : i32
    %mul3A_98 = arith.constant 16 : i32
    %mul3A_99 = arith.muli %div3A_88, %mul3A_98 : i32
    %add3A_100 = arith.addi %add3A_97, %mul3A_99 : i32
    %dma_start3A_101 = arith.constant 0 : i32
    %dma_start3A_102 = arith.constant 0 : i32
    %dma_start3A_103 = tpu.memref_slice %arg7[%rem3A_94, %dma_start3A_101, %dma_start3A_102] : memref<3x16x1024xf32, #tpu.memory_space<vmem>> -> memref<1x16x1024xf32, #tpu.memory_space<vmem>>
    %dma_start3A_104 = tpu.memref_squeeze %dma_start3A_103 : memref<1x16x1024xf32, #tpu.memory_space<vmem>> -> memref<16x1024xf32, #tpu.memory_space<vmem>>
    %dma_start3A_105 = arith.constant 0 : i32
    %dma_start3A_106 = tpu.memref_slice %arg2[%add3A_100, %dma_start3A_105] : memref<16384x1024xf32, #tpu.memory_space<hbm>> -> memref<16x1024xf32, #tpu.memory_space<hbm>>
    %dma_start3A_107 = tpu.memref_slice %arg12[%rem3A_94] : memref<3x!tpu.dma_semaphore, #tpu.memory_space<semaphore_mem>> -> memref<1x!tpu.dma_semaphore, #tpu.memory_space<semaphore_mem>>
    %dma_start3A_108 = tpu.memref_squeeze %dma_start3A_107 : memref<1x!tpu.dma_semaphore, #tpu.memory_space<semaphore_mem>> -> memref<!tpu.dma_semaphore, #tpu.memory_space<semaphore_mem>>
    %dma_start3A_109 = arith.constant 0 : i32
    %dma_start3A_110 = arith.constant 0 : i32
    %dma_start3A_111 = tpu.memref_slice %arg7[%rem3A_94, %dma_start3A_109, %dma_start3A_110] : memref<3x16x1024xf32, #tpu.memory_space<vmem>> -> memref<1x16x1024xf32, #tpu.memory_space<vmem>>
    %dma_start3A_112 = tpu.memref_squeeze %dma_start3A_111 : memref<1x16x1024xf32, #tpu.memory_space<vmem>> -> memref<16x1024xf32, #tpu.memory_space<vmem>>
    %dma_start3A_113 = arith.constant 0 : i32
    %dma_start3A_114 = tpu.memref_slice %arg2[%add3A_100, %dma_start3A_113] : memref<16384x1024xf32, #tpu.memory_space<hbm>> -> memref<16x1024xf32, #tpu.memory_space<hbm>>
    tpu.enqueue_dma source(%dma_start3A_114 : memref<16x1024xf32, #tpu.memory_space<hbm>>) target(%dma_start3A_112 : memref<16x1024xf32, #tpu.memory_space<vmem>>) target_semaphore(%dma_start3A_108 : memref<!tpu.dma_semaphore, #tpu.memory_space<semaphore_mem>>)
    %scan3A = arith.constant 0 : i32
    %scan3A_115 = arith.constant 0 : i32
    %scan3A_116 = arith.constant 32 : i32
    %scan3A_117 = arith.addi %scan3A_115, %scan3A_116 : i32
    %scan3A_118 = arith.constant 1 : i32
    %scan3A_119 = scf.for %scan3A_178 = %scan3A_115 to %scan3A_117 step %scan3A_118 iter_args(%scan3A_179 = %scan3A) -> (i32)  : i32 {
      %div3A_180 = arith.constant 4 : i32
      %div3A_181 = arith.divsi %scan3A_178, %div3A_180 : i32
      %rem3A_182 = arith.constant 4 : i32
      %rem3A_183 = arith.remsi %scan3A_178, %rem3A_182 : i32
      %rem3A_184 = arith.constant 2 : i32
      %rem3A_185 = arith.remsi %scan3A_178, %rem3A_184 : i32
      %rem3A_186 = arith.constant 3 : i32
      %rem3A_187 = arith.remsi %scan3A_178, %rem3A_186 : i32
      %rem3A_188 = arith.constant 2 : i32
      %rem3A_189 = arith.remsi %div3A_181, %rem3A_188 : i32
      %eq3A = arith.constant 0 : i32
      %eq3A_190 = arith.cmpi eq, %rem3A_183, %eq3A : i32
      %convert_element_type3A = arith.extui %eq3A_190 : i1 to i32
      %cond3A = arith.constant 0 : i32
      %cond3A_191 = arith.cmpi ne, %convert_element_type3A, %cond3A : i32
      scf.if %cond3A_191 {
        %rem3A_266 = arith.constant 2 : i32
        %rem3A_267 = arith.remsi %div3A_181, %rem3A_266 : i32
        %dma_wait3A_268 = arith.constant 0 : i32
        %dma_wait3A_269 = arith.constant 0 : i32
        %dma_wait3A_270 = tpu.memref_slice %arg6[%rem3A_267, %dma_wait3A_268, %dma_wait3A_269] : memref<2x16x1024xf32, #tpu.memory_space<vmem>> -> memref<1x16x1024xf32, #tpu.memory_space<vmem>>
        %dma_wait3A_271 = tpu.memref_squeeze %dma_wait3A_270 : memref<1x16x1024xf32, #tpu.memory_space<vmem>> -> memref<16x1024xf32, #tpu.memory_space<vmem>>
        %dma_wait3A_272 = arith.constant 0 : i32
        %dma_wait3A_273 = tpu.memref_slice %arg9[%rem3A_267, %dma_wait3A_272] : memref<2x16xi32, #tpu.memory_space<vmem>> -> memref<1x16xi32, #tpu.memory_space<vmem>>
        %dma_wait3A_274 = tpu.memref_squeeze %dma_wait3A_273 : memref<1x16xi32, #tpu.memory_space<vmem>> -> memref<16xi32, #tpu.memory_space<vmem>>
        %dma_wait3A_275 = arith.constant 0 : i32
        %dma_wait3A_276 = arith.constant 0 : i32
        %dma_wait3A_277 = tpu.memref_slice %arg3[%dma_wait3A_275, %dma_wait3A_276] : memref<8192x1024xf32, #tpu.memory_space<hbm>> -> memref<8192x1024xf32, #tpu.memory_space<hbm>>
        %dma_wait3A_278 = tpu.memref_slice %arg11[%rem3A_267] : memref<2x!tpu.dma_semaphore, #tpu.memory_space<semaphore_mem>> -> memref<1x!tpu.dma_semaphore, #tpu.memory_space<semaphore_mem>>
        %dma_wait3A_279 = tpu.memref_squeeze %dma_wait3A_278 : memref<1x!tpu.dma_semaphore, #tpu.memory_space<semaphore_mem>> -> memref<!tpu.dma_semaphore, #tpu.memory_space<semaphore_mem>>
        tpu.wait_indirect_dma semaphore(%dma_wait3A_279 : memref<!tpu.dma_semaphore, #tpu.memory_space<semaphore_mem>>) src(%dma_wait3A_277 : memref<8192x1024xf32, #tpu.memory_space<hbm>>) dst(%dma_wait3A_271 : memref<16x1024xf32, #tpu.memory_space<vmem>>)
      } else {
      }
      %eq3A_192 = arith.constant 0 : i32
      %eq3A_193 = arith.cmpi eq, %rem3A_183, %eq3A_192 : i32
      %add3A_194 = arith.constant 1 : i32
      %add3A_195 = arith.addi %div3A_181, %add3A_194 : i32
      %lt3A = arith.constant 8 : i32
      %lt3A_196 = arith.cmpi slt, %add3A_195, %lt3A : i32
      %and3A = arith.andi %eq3A_193, %lt3A_196 : i1
      %convert_element_type3A_197 = arith.extui %and3A : i1 to i32
      %cond3A_198 = arith.constant 0 : i32
      %cond3A_199 = arith.cmpi ne, %convert_element_type3A_197, %cond3A_198 : i32
      scf.if %cond3A_199 {
        %add3A_266 = arith.constant 1 : i32
        %add3A_267 = arith.addi %div3A_181, %add3A_266 : i32
        %rem3A_268 = arith.constant 2 : i32
        %rem3A_269 = arith.remsi %add3A_267, %rem3A_268 : i32
        %iota3A_270 = tpu.iota {dimensions = array<i32: 0>} : vector<16xi32>
        %add3A_271 = arith.addi %get3A_4, %iota3A_270 : vector<16xi32>
        %mul3A_272 = arith.constant 16 : i32
        %mul3A_273 = arith.muli %add3A_267, %mul3A_272 : i32
        %add3A_274 = arith.addi %mul3A_2, %mul3A_273 : i32
        %add3A_275 = vector.broadcast %add3A_274 : i32 to vector<16xi32>
        %add3A_276 = arith.addi %add3A_271, %add3A_275 : vector<16xi32>
        %swap3A_277 = arith.index_cast %rem3A_269 : i32 to index
        %swap3A_278 = arith.constant 0 : index
        %swap3A_279 = tpu.vector_load %arg9[%swap3A_277, %swap3A_278] {strides = array<i32>} : memref<2x16xi32, #tpu.memory_space<vmem>>, vector<1x16xi32>,
        %swap3A_280 = vector.shape_cast %swap3A_279 : vector<1x16xi32> to vector<16xi32>
        %swap3A_281 = vector.shape_cast %add3A_276 : vector<16xi32> to vector<1x16xi32>
        tpu.vector_store %arg9[%swap3A_277, %swap3A_278], %swap3A_281 {strides = array<i32>} : memref<2x16xi32, #tpu.memory_space<vmem>>, vector<1x16xi32>,
        %dma_start3A_282 = arith.constant 0 : i32
        %dma_start3A_283 = arith.constant 0 : i32
        %dma_start3A_284 = tpu.memref_slice %arg6[%rem3A_269, %dma_start3A_282, %dma_start3A_283] : memref<2x16x1024xf32, #tpu.memory_space<vmem>> -> memref<1x16x1024xf32, #tpu.memory_space<vmem>>
        %dma_start3A_285 = tpu.memref_squeeze %dma_start3A_284 : memref<1x16x1024xf32, #tpu.memory_space<vmem>> -> memref<16x1024xf32, #tpu.memory_space<vmem>>
        %dma_start3A_286 = arith.constant 0 : i32
        %dma_start3A_287 = tpu.memref_slice %arg9[%rem3A_269, %dma_start3A_286] : memref<2x16xi32, #tpu.memory_space<vmem>> -> memref<1x16xi32, #tpu.memory_space<vmem>>
        %dma_start3A_288 = tpu.memref_squeeze %dma_start3A_287 : memref<1x16xi32, #tpu.memory_space<vmem>> -> memref<16xi32, #tpu.memory_space<vmem>>
        %dma_start3A_289 = arith.constant 0 : i32
        %dma_start3A_290 = arith.constant 0 : i32
        %dma_start3A_291 = tpu.memref_slice %arg3[%dma_start3A_289, %dma_start3A_290] : memref<8192x1024xf32, #tpu.memory_space<hbm>> -> memref<8192x1024xf32, #tpu.memory_space<hbm>>
        %dma_start3A_292 = tpu.memref_slice %arg11[%rem3A_269] : memref<2x!tpu.dma_semaphore, #tpu.memory_space<semaphore_mem>> -> memref<1x!tpu.dma_semaphore, #tpu.memory_space<semaphore_mem>>
        %dma_start3A_293 = tpu.memref_squeeze %dma_start3A_292 : memref<1x!tpu.dma_semaphore, #tpu.memory_space<semaphore_mem>> -> memref<!tpu.dma_semaphore, #tpu.memory_space<semaphore_mem>>
        tpu.enqueue_indirect_dma source(%dma_start3A_291 : memref<8192x1024xf32, #tpu.memory_space<hbm>>) target(%dma_start3A_285 : memref<16x1024xf32, #tpu.memory_space<vmem>>) offsets(%dma_start3A_288 : memref<16xi32, #tpu.memory_space<vmem>>) semaphore(%dma_start3A_293 : memref<!tpu.dma_semaphore, #tpu.memory_space<semaphore_mem>>)
      } else {
      }
      %ge3A = arith.constant 2 : i32
      %ge3A_200 = arith.cmpi sge, %scan3A_178, %ge3A : i32
      %convert_element_type3A_201 = arith.extui %ge3A_200 : i1 to i32
      %cond3A_202 = arith.constant 0 : i32
      %cond3A_203 = arith.cmpi ne, %convert_element_type3A_201, %cond3A_202 : i32
      scf.if %cond3A_203 {
        %sub3A = arith.constant 2 : i32
        %sub3A_266 = arith.subi %scan3A_178, %sub3A : i32
        %div3A_267 = arith.constant 4 : i32
        %div3A_268 = arith.divsi %sub3A_266, %div3A_267 : i32
        %rem3A_269 = arith.constant 4 : i32
        %rem3A_270 = arith.remsi %sub3A_266, %rem3A_269 : i32
        %rem3A_271 = arith.constant 2 : i32
        %rem3A_272 = arith.remsi %sub3A_266, %rem3A_271 : i32
        %mul3A_273 = arith.constant 4096 : i32
        %mul3A_274 = arith.muli %rem3A_270, %mul3A_273 : i32
        %add3A_275 = arith.addi %mul3A_274, %mul3A_2 : i32
        %mul3A_276 = arith.constant 16 : i32
        %mul3A_277 = arith.muli %div3A_268, %mul3A_276 : i32
        %add3A_278 = arith.addi %add3A_275, %mul3A_277 : i32
        %dma_wait3A_279 = arith.constant 0 : i32
        %dma_wait3A_280 = arith.constant 0 : i32
        %dma_wait3A_281 = tpu.memref_slice %arg8[%rem3A_272, %dma_wait3A_279, %dma_wait3A_280] : memref<2x16x1024xf32, #tpu.memory_space<vmem>> -> memref<1x16x1024xf32, #tpu.memory_space<vmem>>
        %dma_wait3A_282 = tpu.memref_squeeze %dma_wait3A_281 : memref<1x16x1024xf32, #tpu.memory_space<vmem>> -> memref<16x1024xf32, #tpu.memory_space<vmem>>
        %dma_wait3A_283 = arith.constant 0 : i32
        %dma_wait3A_284 = tpu.memref_slice %arg5[%add3A_278, %dma_wait3A_283] : memref<16384x1024xf32, #tpu.memory_space<hbm>> -> memref<16x1024xf32, #tpu.memory_space<hbm>>
        %dma_wait3A_285 = tpu.memref_slice %arg13[%rem3A_272] : memref<2x!tpu.dma_semaphore, #tpu.memory_space<semaphore_mem>> -> memref<1x!tpu.dma_semaphore, #tpu.memory_space<semaphore_mem>>
        %dma_wait3A_286 = tpu.memref_squeeze %dma_wait3A_285 : memref<1x!tpu.dma_semaphore, #tpu.memory_space<semaphore_mem>> -> memref<!tpu.dma_semaphore, #tpu.memory_space<semaphore_mem>>
        %dma_wait3A_287 = arith.constant 0 : i32
        %dma_wait3A_288 = tpu.memref_slice %arg5[%add3A_278, %dma_wait3A_287] : memref<16384x1024xf32, #tpu.memory_space<hbm>> -> memref<16x1024xf32, #tpu.memory_space<hbm>>
        %dma_wait3A_289 = arith.constant 0 : i32
        %dma_wait3A_290 = arith.constant 0 : i32
        %dma_wait3A_291 = tpu.memref_slice %arg8[%rem3A_272, %dma_wait3A_289, %dma_wait3A_290] : memref<2x16x1024xf32, #tpu.memory_space<vmem>> -> memref<1x16x1024xf32, #tpu.memory_space<vmem>>
        %dma_wait3A_292 = tpu.memref_squeeze %dma_wait3A_291 : memref<1x16x1024xf32, #tpu.memory_space<vmem>> -> memref<16x1024xf32, #tpu.memory_space<vmem>>
        tpu.wait_dma2 semaphore(%dma_wait3A_286 : memref<!tpu.dma_semaphore, #tpu.memory_space<semaphore_mem>>) src(%dma_wait3A_292 : memref<16x1024xf32, #tpu.memory_space<vmem>>) dst(%dma_wait3A_288 : memref<16x1024xf32, #tpu.memory_space<hbm>>)
      } else {
      }
      %div3A_204 = arith.constant 4 : i32
      %div3A_205 = arith.divsi %scan3A_178, %div3A_204 : i32
      %rem3A_206 = arith.constant 4 : i32
      %rem3A_207 = arith.remsi %scan3A_178, %rem3A_206 : i32
      %rem3A_208 = arith.constant 3 : i32
      %rem3A_209 = arith.remsi %scan3A_178, %rem3A_208 : i32
      %mul3A_210 = arith.constant 4096 : i32
      %mul3A_211 = arith.muli %rem3A_207, %mul3A_210 : i32
      %add3A_212 = arith.addi %mul3A_211, %mul3A_2 : i32
      %mul3A_213 = arith.constant 16 : i32
      %mul3A_214 = arith.muli %div3A_205, %mul3A_213 : i32
      %add3A_215 = arith.addi %add3A_212, %mul3A_214 : i32
      %dma_wait3A_216 = arith.constant 0 : i32
      %dma_wait3A_217 = arith.constant 0 : i32
      %dma_wait3A_218 = tpu.memref_slice %arg7[%rem3A_209, %dma_wait3A_216, %dma_wait3A_217] : memref<3x16x1024xf32, #tpu.memory_space<vmem>> -> memref<1x16x1024xf32, #tpu.memory_space<vmem>>
      %dma_wait3A_219 = tpu.memref_squeeze %dma_wait3A_218 : memref<1x16x1024xf32, #tpu.memory_space<vmem>> -> memref<16x1024xf32, #tpu.memory_space<vmem>>
      %dma_wait3A_220 = arith.constant 0 : i32
      %dma_wait3A_221 = tpu.memref_slice %arg2[%add3A_215, %dma_wait3A_220] : memref<16384x1024xf32, #tpu.memory_space<hbm>> -> memref<16x1024xf32, #tpu.memory_space<hbm>>
      %dma_wait3A_222 = tpu.memref_slice %arg12[%rem3A_209] : memref<3x!tpu.dma_semaphore, #tpu.memory_space<semaphore_mem>> -> memref<1x!tpu.dma_semaphore, #tpu.memory_space<semaphore_mem>>
      %dma_wait3A_223 = tpu.memref_squeeze %dma_wait3A_222 : memref<1x!tpu.dma_semaphore, #tpu.memory_space<semaphore_mem>> -> memref<!tpu.dma_semaphore, #tpu.memory_space<semaphore_mem>>
      %dma_wait3A_224 = arith.constant 0 : i32
      %dma_wait3A_225 = arith.constant 0 : i32
      %dma_wait3A_226 = tpu.memref_slice %arg7[%rem3A_209, %dma_wait3A_224, %dma_wait3A_225] : memref<3x16x1024xf32, #tpu.memory_space<vmem>> -> memref<1x16x1024xf32, #tpu.memory_space<vmem>>
      %dma_wait3A_227 = tpu.memref_squeeze %dma_wait3A_226 : memref<1x16x1024xf32, #tpu.memory_space<vmem>> -> memref<16x1024xf32, #tpu.memory_space<vmem>>
      %dma_wait3A_228 = arith.constant 0 : i32
      %dma_wait3A_229 = tpu.memref_slice %arg2[%add3A_215, %dma_wait3A_228] : memref<16384x1024xf32, #tpu.memory_space<hbm>> -> memref<16x1024xf32, #tpu.memory_space<hbm>>
      tpu.wait_dma2 semaphore(%dma_wait3A_223 : memref<!tpu.dma_semaphore, #tpu.memory_space<semaphore_mem>>) src(%dma_wait3A_229 : memref<16x1024xf32, #tpu.memory_space<hbm>>) dst(%dma_wait3A_227 : memref<16x1024xf32, #tpu.memory_space<vmem>>)
      %parallel_loop3A = arith.constant 0 : i32
      %parallel_loop3A_230 = arith.constant 1024 : i32
      %parallel_loop3A_231 = arith.constant 1 : i32
      scf.for %parallel_loop3A_266 = %parallel_loop3A to %parallel_loop3A_230 step %parallel_loop3A_231  : i32 {
        %parallel_loop3A_267 = arith.constant 64 : i32
        %parallel_loop3A_268 = arith.divsi %parallel_loop3A_266, %parallel_loop3A_267 : i32
        %parallel_loop3A_269 = arith.constant 64 : i32
        %parallel_loop3A_270 = arith.remsi %parallel_loop3A_266, %parallel_loop3A_269 : i32
        %parallel_loop3A_271 = arith.constant 16 : i32
        %parallel_loop3A_272 = arith.muli %parallel_loop3A_270, %parallel_loop3A_271 : i32
        %parallel_loop3A_273 = arith.index_cast %rem3A_187 : i32 to index
        %parallel_loop3A_274 = arith.index_cast %parallel_loop3A_268 : i32 to index
        %parallel_loop3A_275 = arith.index_cast %parallel_loop3A_272 : i32 to index
        %parallel_loop3A_276 = tpu.vector_load %arg7[%parallel_loop3A_273, %parallel_loop3A_274, %parallel_loop3A_275] {strides = array<i32>} : memref<3x16x1024xf32, #tpu.memory_space<vmem>>, vector<1x1x16xf32>,
        %parallel_loop3A_277 = vector.shape_cast %parallel_loop3A_276 : vector<1x1x16xf32> to vector<16xf32>
        %parallel_loop3A_278 = arith.index_cast %rem3A_189 : i32 to index
        %parallel_loop3A_279 = arith.index_cast %parallel_loop3A_268 : i32 to index
        %parallel_loop3A_280 = arith.index_cast %parallel_loop3A_272 : i32 to index
        %parallel_loop3A_281 = tpu.vector_load %arg6[%parallel_loop3A_278, %parallel_loop3A_279, %parallel_loop3A_280] {strides = array<i32>} : memref<2x16x1024xf32, #tpu.memory_space<vmem>>, vector<1x1x16xf32>,
        %parallel_loop3A_282 = vector.shape_cast %parallel_loop3A_281 : vector<1x1x16xf32> to vector<16xf32>
        %parallel_loop3A_283 = arith.addf %parallel_loop3A_277, %parallel_loop3A_282 : vector<16xf32>
        %parallel_loop3A_284 = arith.index_cast %rem3A_185 : i32 to index
        %parallel_loop3A_285 = arith.index_cast %parallel_loop3A_268 : i32 to index
        %parallel_loop3A_286 = arith.index_cast %parallel_loop3A_272 : i32 to index
        %parallel_loop3A_287 = tpu.vector_load %arg8[%parallel_loop3A_284, %parallel_loop3A_285, %parallel_loop3A_286] {strides = array<i32>} : memref<2x16x1024xf32, #tpu.memory_space<vmem>>, vector<1x1x16xf32>,
        %parallel_loop3A_288 = vector.shape_cast %parallel_loop3A_287 : vector<1x1x16xf32> to vector<16xf32>
        %parallel_loop3A_289 = vector.shape_cast %parallel_loop3A_283 : vector<16xf32> to vector<1x1x16xf32>
        tpu.vector_store %arg8[%parallel_loop3A_284, %parallel_loop3A_285, %parallel_loop3A_286], %parallel_loop3A_289 {strides = array<i32>} : memref<2x16x1024xf32, #tpu.memory_space<vmem>>, vector<1x1x16xf32>,
      } {sc.loop_unroll_factor = 8 : i64, sc.parallel_access}
      %div3A_232 = arith.constant 4 : i32
      %div3A_233 = arith.divsi %scan3A_178, %div3A_232 : i32
      %rem3A_234 = arith.constant 4 : i32
      %rem3A_235 = arith.remsi %scan3A_178, %rem3A_234 : i32
      %rem3A_236 = arith.constant 2 : i32
      %rem3A_237 = arith.remsi %scan3A_178, %rem3A_236 : i32
      %mul3A_238 = arith.constant 4096 : i32
      %mul3A_239 = arith.muli %rem3A_235, %mul3A_238 : i32
      %add3A_240 = arith.addi %mul3A_239, %mul3A_2 : i32
      %mul3A_241 = arith.constant 16 : i32
      %mul3A_242 = arith.muli %div3A_233, %mul3A_241 : i32
      %add3A_243 = arith.addi %add3A_240, %mul3A_242 : i32
      %dma_start3A_244 = arith.constant 0 : i32
      %dma_start3A_245 = arith.constant 0 : i32
      %dma_start3A_246 = tpu.memref_slice %arg8[%rem3A_237, %dma_start3A_244, %dma_start3A_245] : memref<2x16x1024xf32, #tpu.memory_space<vmem>> -> memref<1x16x1024xf32, #tpu.memory_space<vmem>>
      %dma_start3A_247 = tpu.memref_squeeze %dma_start3A_246 : memref<1x16x1024xf32, #tpu.memory_space<vmem>> -> memref<16x1024xf32, #tpu.memory_space<vmem>>
      %dma_start3A_248 = arith.constant 0 : i32
      %dma_start3A_249 = tpu.memref_slice %arg5[%add3A_243, %dma_start3A_248] : memref<16384x1024xf32, #tpu.memory_space<hbm>> -> memref<16x1024xf32, #tpu.memory_space<hbm>>
      %dma_start3A_250 = tpu.memref_slice %arg13[%rem3A_237] : memref<2x!tpu.dma_semaphore, #tpu.memory_space<semaphore_mem>> -> memref<1x!tpu.dma_semaphore, #tpu.memory_space<semaphore_mem>>
      %dma_start3A_251 = tpu.memref_squeeze %dma_start3A_250 : memref<1x!tpu.dma_semaphore, #tpu.memory_space<semaphore_mem>> -> memref<!tpu.dma_semaphore, #tpu.memory_space<semaphore_mem>>
      %dma_start3A_252 = arith.constant 0 : i32
      %dma_start3A_253 = tpu.memref_slice %arg5[%add3A_243, %dma_start3A_252] : memref<16384x1024xf32, #tpu.memory_space<hbm>> -> memref<16x1024xf32, #tpu.memory_space<hbm>>
      %dma_start3A_254 = arith.constant 0 : i32
      %dma_start3A_255 = arith.constant 0 : i32
      %dma_start3A_256 = tpu.memref_slice %arg8[%rem3A_237, %dma_start3A_254, %dma_start3A_255] : memref<2x16x1024xf32, #tpu.memory_space<vmem>> -> memref<1x16x1024xf32, #tpu.memory_space<vmem>>
      %dma_start3A_257 = tpu.memref_squeeze %dma_start3A_256 : memref<1x16x1024xf32, #tpu.memory_space<vmem>> -> memref<16x1024xf32, #tpu.memory_space<vmem>>
      tpu.enqueue_dma source(%dma_start3A_257 : memref<16x1024xf32, #tpu.memory_space<vmem>>) target(%dma_start3A_253 : memref<16x1024xf32, #tpu.memory_space<hbm>>) target_semaphore(%dma_start3A_251 : memref<!tpu.dma_semaphore, #tpu.memory_space<semaphore_mem>>)
      %add3A_258 = arith.constant 3 : i32
      %add3A_259 = arith.addi %scan3A_178, %add3A_258 : i32
      %lt3A_260 = arith.constant 32 : i32
      %lt3A_261 = arith.cmpi slt, %add3A_259, %lt3A_260 : i32
      %convert_element_type3A_262 = arith.extui %lt3A_261 : i1 to i32
      %cond3A_263 = arith.constant 0 : i32
      %cond3A_264 = arith.cmpi ne, %convert_element_type3A_262, %cond3A_263 : i32
      scf.if %cond3A_264 {
        %add3A_266 = arith.constant 3 : i32
        %add3A_267 = arith.addi %scan3A_178, %add3A_266 : i32
        %div3A_268 = arith.constant 4 : i32
        %div3A_269 = arith.divsi %add3A_267, %div3A_268 : i32
        %rem3A_270 = arith.constant 4 : i32
        %rem3A_271 = arith.remsi %add3A_267, %rem3A_270 : i32
        %rem3A_272 = arith.constant 3 : i32
        %rem3A_273 = arith.remsi %add3A_267, %rem3A_272 : i32
        %mul3A_274 = arith.constant 4096 : i32
        %mul3A_275 = arith.muli %rem3A_271, %mul3A_274 : i32
        %add3A_276 = arith.addi %mul3A_275, %mul3A_2 : i32
        %mul3A_277 = arith.constant 16 : i32
        %mul3A_278 = arith.muli %div3A_269, %mul3A_277 : i32
        %add3A_279 = arith.addi %add3A_276, %mul3A_278 : i32
        %dma_start3A_280 = arith.constant 0 : i32
        %dma_start3A_281 = arith.constant 0 : i32
        %dma_start3A_282 = tpu.memref_slice %arg7[%rem3A_273, %dma_start3A_280, %dma_start3A_281] : memref<3x16x1024xf32, #tpu.memory_space<vmem>> -> memref<1x16x1024xf32, #tpu.memory_space<vmem>>
        %dma_start3A_283 = tpu.memref_squeeze %dma_start3A_282 : memref<1x16x1024xf32, #tpu.memory_space<vmem>> -> memref<16x1024xf32, #tpu.memory_space<vmem>>
        %dma_start3A_284 = arith.constant 0 : i32
        %dma_start3A_285 = tpu.memref_slice %arg2[%add3A_279, %dma_start3A_284] : memref<16384x1024xf32, #tpu.memory_space<hbm>> -> memref<16x1024xf32, #tpu.memory_space<hbm>>
        %dma_start3A_286 = tpu.memref_slice %arg12[%rem3A_273] : memref<3x!tpu.dma_semaphore, #tpu.memory_space<semaphore_mem>> -> memref<1x!tpu.dma_semaphore, #tpu.memory_space<semaphore_mem>>
        %dma_start3A_287 = tpu.memref_squeeze %dma_start3A_286 : memref<1x!tpu.dma_semaphore, #tpu.memory_space<semaphore_mem>> -> memref<!tpu.dma_semaphore, #tpu.memory_space<semaphore_mem>>
        %dma_start3A_288 = arith.constant 0 : i32
        %dma_start3A_289 = arith.constant 0 : i32
        %dma_start3A_290 = tpu.memref_slice %arg7[%rem3A_273, %dma_start3A_288, %dma_start3A_289] : memref<3x16x1024xf32, #tpu.memory_space<vmem>> -> memref<1x16x1024xf32, #tpu.memory_space<vmem>>
        %dma_start3A_291 = tpu.memref_squeeze %dma_start3A_290 : memref<1x16x1024xf32, #tpu.memory_space<vmem>> -> memref<16x1024xf32, #tpu.memory_space<vmem>>
        %dma_start3A_292 = arith.constant 0 : i32
        %dma_start3A_293 = tpu.memref_slice %arg2[%add3A_279, %dma_start3A_292] : memref<16384x1024xf32, #tpu.memory_space<hbm>> -> memref<16x1024xf32, #tpu.memory_space<hbm>>
        tpu.enqueue_dma source(%dma_start3A_293 : memref<16x1024xf32, #tpu.memory_space<hbm>>) target(%dma_start3A_291 : memref<16x1024xf32, #tpu.memory_space<vmem>>) target_semaphore(%dma_start3A_287 : memref<!tpu.dma_semaphore, #tpu.memory_space<semaphore_mem>>)
      } else {
      }
      %scan3A_265 = arith.constant 0 : i32
      scf.yield %scan3A_265 : i32
    }
    %scan3A_120 = arith.constant 32 : i32
    %div3A_121 = arith.constant 30 : i32
    %div3A_122 = arith.constant 4 : i32
    %div3A_123 = arith.divsi %div3A_121, %div3A_122 : i32
    %rem3A_124 = arith.constant 30 : i32
    %rem3A_125 = arith.constant 4 : i32
    %rem3A_126 = arith.remsi %rem3A_124, %rem3A_125 : i32
    %rem3A_127 = arith.constant 30 : i32
    %rem3A_128 = arith.constant 2 : i32
    %rem3A_129 = arith.remsi %rem3A_127, %rem3A_128 : i32
    %mul3A_130 = arith.constant 4096 : i32
    %mul3A_131 = arith.muli %rem3A_126, %mul3A_130 : i32
    %add3A_132 = arith.addi %mul3A_131, %mul3A_2 : i32
    %mul3A_133 = arith.constant 16 : i32
    %mul3A_134 = arith.muli %div3A_123, %mul3A_133 : i32
    %add3A_135 = arith.addi %add3A_132, %mul3A_134 : i32
    %dma_wait3A = arith.constant 0 : i32
    %dma_wait3A_136 = arith.constant 0 : i32
    %dma_wait3A_137 = tpu.memref_slice %arg8[%rem3A_129, %dma_wait3A, %dma_wait3A_136] : memref<2x16x1024xf32, #tpu.memory_space<vmem>> -> memref<1x16x1024xf32, #tpu.memory_space<vmem>>
    %dma_wait3A_138 = tpu.memref_squeeze %dma_wait3A_137 : memref<1x16x1024xf32, #tpu.memory_space<vmem>> -> memref<16x1024xf32, #tpu.memory_space<vmem>>
    %dma_wait3A_139 = arith.constant 0 : i32
    %dma_wait3A_140 = tpu.memref_slice %arg5[%add3A_135, %dma_wait3A_139] : memref<16384x1024xf32, #tpu.memory_space<hbm>> -> memref<16x1024xf32, #tpu.memory_space<hbm>>
    %dma_wait3A_141 = tpu.memref_slice %arg13[%rem3A_129] : memref<2x!tpu.dma_semaphore, #tpu.memory_space<semaphore_mem>> -> memref<1x!tpu.dma_semaphore, #tpu.memory_space<semaphore_mem>>
    %dma_wait3A_142 = tpu.memref_squeeze %dma_wait3A_141 : memref<1x!tpu.dma_semaphore, #tpu.memory_space<semaphore_mem>> -> memref<!tpu.dma_semaphore, #tpu.memory_space<semaphore_mem>>
    %dma_wait3A_143 = arith.constant 0 : i32
    %dma_wait3A_144 = tpu.memref_slice %arg5[%add3A_135, %dma_wait3A_143] : memref<16384x1024xf32, #tpu.memory_space<hbm>> -> memref<16x1024xf32, #tpu.memory_space<hbm>>
    %dma_wait3A_145 = arith.constant 0 : i32
    %dma_wait3A_146 = arith.constant 0 : i32
    %dma_wait3A_147 = tpu.memref_slice %arg8[%rem3A_129, %dma_wait3A_145, %dma_wait3A_146] : memref<2x16x1024xf32, #tpu.memory_space<vmem>> -> memref<1x16x1024xf32, #tpu.memory_space<vmem>>
    %dma_wait3A_148 = tpu.memref_squeeze %dma_wait3A_147 : memref<1x16x1024xf32, #tpu.memory_space<vmem>> -> memref<16x1024xf32, #tpu.memory_space<vmem>>
    tpu.wait_dma2 semaphore(%dma_wait3A_142 : memref<!tpu.dma_semaphore, #tpu.memory_space<semaphore_mem>>) src(%dma_wait3A_148 : memref<16x1024xf32, #tpu.memory_space<vmem>>) dst(%dma_wait3A_144 : memref<16x1024xf32, #tpu.memory_space<hbm>>)
    %div3A_149 = arith.constant 31 : i32
    %div3A_150 = arith.constant 4 : i32
    %div3A_151 = arith.divsi %div3A_149, %div3A_150 : i32
    %rem3A_152 = arith.constant 31 : i32
    %rem3A_153 = arith.constant 4 : i32
    %rem3A_154 = arith.remsi %rem3A_152, %rem3A_153 : i32
    %rem3A_155 = arith.constant 31 : i32
    %rem3A_156 = arith.constant 2 : i32
    %rem3A_157 = arith.remsi %rem3A_155, %rem3A_156 : i32
    %mul3A_158 = arith.constant 4096 : i32
    %mul3A_159 = arith.muli %rem3A_154, %mul3A_158 : i32
    %add3A_160 = arith.addi %mul3A_159, %mul3A_2 : i32
    %mul3A_161 = arith.constant 16 : i32
    %mul3A_162 = arith.muli %div3A_151, %mul3A_161 : i32
    %add3A_163 = arith.addi %add3A_160, %mul3A_162 : i32
    %dma_wait3A_164 = arith.constant 0 : i32
    %dma_wait3A_165 = arith.constant 0 : i32
    %dma_wait3A_166 = tpu.memref_slice %arg8[%rem3A_157, %dma_wait3A_164, %dma_wait3A_165] : memref<2x16x1024xf32, #tpu.memory_space<vmem>> -> memref<1x16x1024xf32, #tpu.memory_space<vmem>>
    %dma_wait3A_167 = tpu.memref_squeeze %dma_wait3A_166 : memref<1x16x1024xf32, #tpu.memory_space<vmem>> -> memref<16x1024xf32, #tpu.memory_space<vmem>>
    %dma_wait3A_168 = arith.constant 0 : i32
    %dma_wait3A_169 = tpu.memref_slice %arg5[%add3A_163, %dma_wait3A_168] : memref<16384x1024xf32, #tpu.memory_space<hbm>> -> memref<16x1024xf32, #tpu.memory_space<hbm>>
    %dma_wait3A_170 = tpu.memref_slice %arg13[%rem3A_157] : memref<2x!tpu.dma_semaphore, #tpu.memory_space<semaphore_mem>> -> memref<1x!tpu.dma_semaphore, #tpu.memory_space<semaphore_mem>>
    %dma_wait3A_171 = tpu.memref_squeeze %dma_wait3A_170 : memref<1x!tpu.dma_semaphore, #tpu.memory_space<semaphore_mem>> -> memref<!tpu.dma_semaphore, #tpu.memory_space<semaphore_mem>>
    %dma_wait3A_172 = arith.constant 0 : i32
    %dma_wait3A_173 = tpu.memref_slice %arg5[%add3A_163, %dma_wait3A_172] : memref<16384x1024xf32, #tpu.memory_space<hbm>> -> memref<16x1024xf32, #tpu.memory_space<hbm>>
    %dma_wait3A_174 = arith.constant 0 : i32
    %dma_wait3A_175 = arith.constant 0 : i32
    %dma_wait3A_176 = tpu.memref_slice %arg8[%rem3A_157, %dma_wait3A_174, %dma_wait3A_175] : memref<2x16x1024xf32, #tpu.memory_space<vmem>> -> memref<1x16x1024xf32, #tpu.memory_space<vmem>>
    %dma_wait3A_177 = tpu.memref_squeeze %dma_wait3A_176 : memref<1x16x1024xf32, #tpu.memory_space<vmem>> -> memref<16x1024xf32, #tpu.memory_space<vmem>>
    tpu.wait_dma2 semaphore(%dma_wait3A_171 : memref<!tpu.dma_semaphore, #tpu.memory_space<semaphore_mem>>) src(%dma_wait3A_177 : memref<16x1024xf32, #tpu.memory_space<vmem>>) dst(%dma_wait3A_173 : memref<16x1024xf32, #tpu.memory_space<hbm>>)
    return
  }
}

</mosaic_0001>

<sc_bundles>
// kernel: _pe_add.3.cloned.1.call-start
scs
__scs_entry_jumppad:
0x0: {  	(pc) =	sbr.rel $0x88, $3  }
0x1: {  	(tag) =	ssettag $0x0;
	lr =	simm.s32 $0x1  }
0x2: {  	[smem:$0x3F9E] =	sst lr;
	_ =	strace $0xD0000000  }
0x3: {  	_ = 	snop  }
0x4: {  	_ = 	snop  }
0x5: {  	_ = 	snop  }
0x6: {  	_ = 	snop  }
0x7: {  	_ = 	snop  }
__scs_overlays_trampoline_lowered:
0x8: {  	[smem:$0x3FAD] =	sst s0  }
0x9: {  	[smem:$0x3FAE] =	sst s1  }
0xa: {  	[smem:$0x3FAF] =	sst s2  }
0xb: {  	[smem:$0x3FB0] =	sst s3  }
0xc: {  	[smem:$0x3FB1] =	sst s4  }
0xd: {  	[smem:$0x3FB2] =	sst s5  }
0xe: {  	[smem:$0x3FB3] =	sst s6  }
0xf: {  	[smem:$0x3FB4] =	sst s7  }
0x10: {  	[smem:$0x3FB5] =	sst s8  }
0x11: {  	[smem:$0x3FB6] =	sst s9;
	s0 =	simm.s32 @!p0 $0x0  }
0x12: {  	s1 =	sld [smem:$0x3F9C];
	s0 =	simm.s32 @p0 $0x1  }
0x13: {  	[smem:$0x3FB7] =	sst s0;
	s0 =	simm.s32 @!p1 $0x0  }
0x14: {  	s2 =	sld [smem:$0x3F9B];
	s0 =	simm.s32 @p1 $0x1  }
0x15: {  	[smem:$0x3FB8] =	sst s0;
	s0 =	simm.s32 @!p2 $0x0  }
0x16: {  	s3 =	sld [smem:$0x3FDB];
	s0 =	simm.s32 @p2 $0x1  }
0x17: {  	s4 =	simm.s32 $0x1BF5;
	[smem:$0x3FBA] =	sst s0  }
0x18: {  	s0 =	sld [smem:$0x3F9D];
	_ =	swait.ge [sflag:s4], $0x0  }
0x19: {  	s7 =	sld [smem:$0x3F9E]  }
0x1a: {  	s8 =	sadd.s32 $0xFFFFE003, lr  }
0x1b: {  	s9 =	sadd.s32 $0xFFFFFEF7, lr;
	s5 =	simm.s32 $0xFFFFFFFF;
	p2 =	slt.u32 s8, $0xFFFFF086  }
0x1c: {  	p1 =	slt.u32 s9, $0xF7A;
	s5 =	simm.s32 @!p2 $0x0  }
0x1d: {  	s5 =	simm.s32 @p1 $0x1;
	p0 =	seq.s32 s7, s2  }
0x1e: {  	s7 =	smul.u32 @!p0 $0xF7A, s2;
	p2 =	seq.s32 @!p0 s5, $0x0  }
0x1f: {  	s9 =	smul.u32 $0xF7A, s1;
	s8 =	simm.s32 @!p0 $0x1BF5;
	p2 =	por !p2, p0  }
0x20: {  	[sflag:s8] =	ssyncset.s32 @!p0 $0xFFFFF086;
	s6 =	sadd.s32 @!p0 s3, s7;
	s7 =	simm.s32 @!p0 $0x108  }
0x21: {  	s3 =	sadd.s32 s3, s9;
	s6 =	sadd.s32 @!p0 $0x88, s6;
	s7 =	simm.s32 @p2 $0x1082  }
0x22: {  	[simem:s7], [sflag:s8] =	dma.local @!p0 [hbm:s6], $0xF7A  }
0x23: {  	s9 =	sor.u32 $0xD0000000, s2;
	s6 =	simm.s32 $0x108;
	_ =	swait.ge @!p0 [sflag:s8], $0x0  }
0x24: {  	s3 =	sadd.s32 $0x88, s3;
	s6 =	simm.s32 @!p1 $0x1082;
	[sflag:s4] =	ssyncset.s32 $0xFFFFF086  }
0x25: {  	[simem:s6], [sflag:s4] =	dma.local [hbm:s3], $0xF7A  }
0x26: {  	[smem:$0x3F9E] =	sst s1;
	(tag) =	ssettag s2;
	_ =	strace s9  }
0x27: {  	s1 =	sld [smem:$0x3FAE]  }
0x28: {  	s2 =	sld [smem:$0x3FAF]  }
0x29: {  	s4 =	sld [smem:$0x3FB1]  }
0x2a: {  	p0 =	seq.s32 s5, $0x0;
	s5 =	sld [smem:$0x3FB2]  }
0x2b: {  	s6 =	sld [smem:$0x3FB3]  }
0x2c: {  	s7 =	sld [smem:$0x3FB4]  }
0x2d: {  	s3 =	simm.s32 $0x108;
	s8 =	sld [smem:$0x3FB5]  }
0x2e: {  	s3 =	simm.s32 @!p0 $0x1082;
	s9 =	sld [smem:$0x3FB6]  }
0x2f: {  	lr =	sadd.s32 s0, s3;
	s0 =	sld [smem:$0x3FAD]  }
0x30: {  	s3 =	sld [smem:$0x3FB0]  }
0x31: {  	[smem:$0x3FB9] =	sst s10  }
0x32: {  	s10 =	sld [smem:$0x3FB7];
	_ =	sdelay $0x3  }
0x33: {  	p0 =	seq.s32 s10, $0x1;
	s10 =	sld [smem:$0x3FB9];
	_ =	sdelay $0x3  }
0x34: {  	[smem:$0x3FB9] =	sst s10  }
0x35: {  	s10 =	sld [smem:$0x3FB8];
	_ =	sdelay $0x3  }
0x36: {  	p1 =	seq.s32 s10, $0x1;
	s10 =	sld [smem:$0x3FB9];
	_ =	sdelay $0x3  }
0x37: {  	[smem:$0x3FB9] =	sst s10  }
0x38: {  	s10 =	sld [smem:$0x3FBA]  }
0x39: {  	_ = 	snop;
	(pc) =	sbr.ind lr, $3  }
0x3a: {  	_ = 	snop  }
0x3b: {  	_ = 	snop  }
0x3c: {  	p2 =	seq.s32 s10, $0x1;
	s10 =	sld [smem:$0x3FB9]  }
0x3d: {  	_ =	shalt  }
0x3e: {  	_ =	shalt  }
0x3f: {  	_ =	shalt  }
0x40: {  	_ =	shalt  }
0x41: {  	_ =	shalt  }
0x42: {  	_ =	shalt  }
0x43: {  	_ =	shalt  }
0x44: {  	_ =	shalt  }
0x45: {  	_ =	shalt  }
0x46: {  	_ =	shalt  }
0x47: {  	_ =	shalt  }
0x48: {  	_ =	shalt  }
0x49: {  	_ =	shalt  }
0x4a: {  	_ =	shalt  }
0x4b: {  	_ =	shalt  }
0x4c: {  	_ =	shalt  }
0x4d: {  	_ =	shalt  }
0x4e: {  	_ =	shalt  }
0x4f: {  	_ =	shalt  }
0x50: {  	_ =	shalt  }
0x51: {  	_ =	shalt  }
0x52: {  	_ =	shalt  }
0x53: {  	_ =	shalt  }
0x54: {  	_ =	shalt  }
0x55: {  	_ =	shalt  }
0x56: {  	_ =	shalt  }
0x57: {  	_ =	shalt  }
0x58: {  	_ =	shalt  }
0x59: {  	_ =	shalt  }
0x5a: {  	_ =	shalt  }
0x5b: {  	_ =	shalt  }
0x5c: {  	_ =	shalt  }
0x5d: {  	_ =	shalt  }
0x5e: {  	_ =	shalt  }
0x5f: {  	_ =	shalt  }
0x60: {  	_ =	shalt  }
0x61: {  	_ =	shalt  }
0x62: {  	_ =	shalt  }
0x63: {  	_ =	shalt  }
0x64: {  	_ =	shalt  }
0x65: {  	_ =	shalt  }
0x66: {  	_ =	shalt  }
0x67: {  	_ =	shalt  }
0x68: {  	_ =	shalt  }
0x69: {  	_ =	shalt  }
0x6a: {  	_ =	shalt  }
0x6b: {  	_ =	shalt  }
0x6c: {  	_ =	shalt  }
0x6d: {  	_ =	shalt  }
0x6e: {  	_ =	shalt  }
0x6f: {  	_ =	shalt  }
0x70: {  	_ =	shalt  }
0x71: {  	_ =	shalt  }
0x72: {  	_ =	shalt  }
0x73: {  	_ =	shalt  }
0x74: {  	_ =	shalt  }
0x75: {  	_ =	shalt  }
0x76: {  	_ =	shalt  }
0x77: {  	_ =	shalt  }
0x78: {  	_ =	shalt  }
0x79: {  	_ =	shalt  }
0x7a: {  	_ =	shalt  }
0x7b: {  	_ =	shalt  }
0x7c: {  	_ =	shalt  }
0x7d: {  	_ =	shalt  }
0x7e: {  	_ =	shalt  }
0x7f: {  	_ =	shalt  }
0x80: {  	_ =	shalt  }
0x81: {  	_ =	shalt  }
0x82: {  	_ =	shalt  }
0x83: {  	_ =	shalt  }
0x84: {  	_ =	shalt  }
0x85: {  	_ =	shalt  }
0x86: {  	_ =	shalt  }
0x87: {  	_ =	shalt  }
.Lfunc_end0:
.L_simem_size_0:
called_computation_lowered:
.L_overlay_start_0:
0x88: {  	s2 =	sld [smem:$0x3FD9]  }
0x89: {  	s3 =	sld [smem:$0x3FFE];
	_ =	sdelay $0x1  }
0x8a: {  	s1 =	srdreg.scid  }
0x8b: {  	s0 =	sand.u32 $0x1, s1  }
0x8c: {  	s18 =	sshll.u32 s0, $0xA;
	s2 =	sadd.s32 s3, s2  }
0x8d: {  	s2 =	sadd.s32 s2, s18  }
0x8e: {  	[smem:$0x3FC5] =	sst s2  }
0x8f: {  	_ = 	snop  }
0x90: {  	s2 =	sld [smem:$0x3FC9]  }
0x91: {  	s19 =	sld [smem:$0x3FC8]  }
0x92: {  	s4 =	sld [smem:$0x3FC7]  }
0x93: {  	s5 =	sld [smem:$0x3FD0];
	(tm) =	ssettm $0x1  }
0x94: {  	s6 =	sld [smem:$0x3FFB];
	_ =	sdelay $0x3  }
0x95: {  	_ =	strace s6  }
0x96: {  	s6 =	sld [smem:$0x3FFC];
	_ =	sdelay $0x3  }
0x97: {  	_ =	strace s6  }
0x98: {  	s6 =	sld [smem:$0x3FFD];
	_ =	sdelay $0x3  }
0x99: {  	_ =	strace s6  }
0x9a: {  	_ =	strace $0x8FFFFFFF  }
0x9b: {  	s20 =	sld [smem:$0x3FDB];
	_ =	sdelay $0x1  }
0x9c: {  	s7 =	simm.s32 $_scs_section_size  }
0x9d: {  	s8 =	simm.s32 $_size__tile_overlayer_lowered;
	s9 =	simm.s32 $_tile_overlayer_lowered  }
0x9e: {  	s23 =	simm.s32 $0x1BFF;
	s22 =	sshll.u32 s9, $0x1;
	s6 =	sadd.s32 s7, s20  }
0x9f: {  	s10 =	simm.s32 $0x0;
	s21 =	sshll.u32 s8, $0x1;
	s8 =	sadd.s32 s22, s6  }
0xa0: {  	[timem:s10], [sflag:s23] =	dma.local [hbm:s8], s21  }
0xa1: {  	_ =	swait.ge [sflag:s23], s21  }
0xa2: {  	s7 =	ssub.s32 $0x0, s21;
	[sflag:s23] =	ssyncset.done $0x0  }
0xa3: {  	[sflag:s23] =	ssyncadd.s32 s7;
	_ =	sdelay $0x1  }
0xa4: {  	s24 =	simm.s32 $0x1B8B  }
0xa5: {  	_ =	swait.ge [sflag:s24], $0x1  }
0xa6: {  	[sflag:s24] =	ssyncset.done $0x0  }
0xa7: {  	s25 =	simm.s32 $0x1B8E;
	[sflag:s24] =	ssyncadd.s32 $0xFFFFFFFF  }
0xa8: {  	s26 =	simm.s32 $execute0_lowered;
	[smem:$0x3FD2] =	sst s25  }
0xa9: {  	s7 =	sshll.u32 s26, $0x1;
	_ =	strace $0x80000046;
	[dreg:$0x1] =	wrdreg $0xFFFFFFFF  }
0xaa: {  	s28 =	simm.s32 $_size_execute0_lowered;
	s6 =	sadd.s32 s6, s7;
	[dreg:$0x0] =	wrdreg $0x0  }
0xab: {  	s7 =	sshll.u32 s28, $0x1;
	[dreg:$0x2] =	wrdreg s6  }
0xac: {  	[dreg:$0x3] =	wrdreg s7  }
0xad: {  	[dreg:$0x4] =	wrdreg $0xC0  }
0xae: {  	_ =	task [dreg:s10], $0x5FFFF  }
0xaf: {  	[dreg:$0x1] =	wrdreg $0xFFFFFFFF  }
0xb0: {  	[dreg:$0x0] =	wrdreg $0x60  }
0xb1: {  	[dreg:$0x2] =	wrdreg s2  }
0xb2: {  	[dreg:$0x3] =	wrdreg s19  }
0xb3: {  	[dreg:$0x4] =	wrdreg s4  }
0xb4: {  	[dreg:$0x5] =	wrdreg s5  }
0xb5: {  	[dreg:$0x6] =	wrdreg $0x9  }
0xb6: {  	_ =	task.clear_ibuf [dreg:s10], $0x7FFFF;
	_ =	strace $0x90000046  }
0xb7: {  	s29 =	simm.s32 $0x9;
	_ =	strace $0x80000048  }
0xb8: {  	_ =	swait.ge [sflag:s29], $0x1  }
0xb9: {  	[sflag:s29] =	ssyncadd.s32 $0xFFFFFFFF  }
0xba: {  	_ =	strace $0x90000048  }
0xbb: {  	_ =	sfence  }
0xbc: {  	s30 =	sld [smem:$0x0];
	_ =	sdelay $0x2  }
0xbd: {  	s31 =	sshll.u32 s1, $0xD;
	s1 =	sshrl.u32 s1, $0x2  }
0xbe: {  	s3 =	sand.u32 $0x4000, s31;
	s1 =	sadd.s32 s1, s30  }
0xbf: {  	s0 =	sor.u32 s3, s0;
	s1 =	sshll.u32 s1, $0x11  }
0xc0: {  	s0 =	sor.u32 s1, s0  }
0xc1: {  	s0 =	sadd.s32 $0x8F2B, s0  }
0xc2: {  	[sflag:s0] =	ssyncadd.remote.s32 $0x1  }
0xc3: {  	_ =	sfence.sel $0xFFFF  }
0xc4: {  	[dreg:$0x0] =	wrdreg $0xFFFFFFFF;
	(pc) =	sbr.abs _section_cstart, $3  }
0xc5: {  	[dreg:$0x1] =	wrdreg $0xFFFFFFFF  }
0xc6: {  	_ =	task.clear_ibuf [dreg:s10], $0x2FFFF;
	_ =	strace $0x9FFFFFFF  }
0xc7: {  	(tm) =	ssettm $0x7FFFFFFF  }
tec
execute0_lowered:
.L_overlay_start_1:
0x0: {  	(tag) =	ssettag $0x1  }
0x1: {  	s0 =	rddreg [dreg:$0x0]  }
0x2: {  	s1 =	rddreg [dreg:$0x1]  }
0x3: {  	s2 =	rddreg [dreg:$0x3]  }
0x4: {  	s3 =	srdreg.scid;
	s5 =	stileid.u32  }
0x5: {  	s4 =	simm.s32 $0x0;
	s15 =	simm.s32 $0x8;
	s26 =	simm.s32 $0x6  }
0x6: {  	s28 =	simm.s32 $0x7;
	s29 =	simm.s32 $0x0;
	s3 =	sand.u32 $0x1, s3  }
0x7: {  	s5 =	sshll.u32 s5, $0x8;
	[smem:$0x7FF] =	sst s4;
	s6 =	sshll.u32 s3, $0x7  }
0x8: {  	s8 =	sadd.s32 $0x200, s1;
	s9 =	sadd.s32 $0x300, s1;
	s5 =	sor.u32 s6, s5  }
0x9: {  	s3 =	ssub.s32 $0x2, s3;
	_ =	strace $0x80000047;
	s12 =	sshll.u32 s5, $0x7  }
0xa: {  	v0 =	vlaneseq.u32;
	s31 =	sshrl.u32 s3, $0x1;
	s6 =	sadd.s32 $0x100, s1;
	s7 =	sadd.s32 s0, s12  }
0xb: {  	vm0 =	vmmov $0xffff;
	v2 =	vand.u32 $0x7, v0;
	v3 =	vshrl.u32 v0, $0x3;
	s3 =	ssub.s32 s3, s31;
	s12 =	sadd.s32 s2, s12;
	s0 =	sadd.s32 $0x80000, s7  }
0xc: {  	v4 =	vor.u32 $0x8, v0;
	v3 =	vmul.u32 $0x8, v3;
	v1 =	vmov s5;
	s13 =	smax.u32 s3, $0x1;
	s11 =	sadd.s32 $0x100000, s7;
	[dreg:$0x5] =	wrdreg s0  }
.LBB2_1:
0xd: {  	s0 =	rddreg [dreg:$0x2];
	s2 =	simm.s32 $0x1C100  }
0xe: {  	[tilespmem:s2], [sflag:$0x8] =	stream.linear.gather [hbm4b:s0+s4], $0x80, $0x38;
	[tilespmem:$0x1C180] =	vst v63  }
0xf: {  	_ =	swait.ge [sflag:s15], $0x80  }
0x10: {  	[sflag:s15] =	ssyncset.done $0x0  }
0x11: {  	[sflag:s15] =	ssyncadd.s32 $0xFFFFFF80  }
0x12: {  	v5 =	vld [tilespmem:$0x1C100];
	_ =	sdelay $0x4  }
0x13: {  	v5 =	vadd.s32 v0, v5  }
0x14: {  	v7 =	vadd.s32 v1, v5  }
0x15: {  	v8 =	vshll.u32 v7, $0x3  }
0x16: {  	v6 =	vand.u32 $0x7, v5;
	v8 =	vand.u32 $0xFFFFFFC0, v8  }
0x17: {  	v8 =	vor.u32 v6, v8  }
0x18: {  	v9 =	vperm.xlane v8, v2;
	_ =	sdelay $0x1  }
0x19: {  	v9 =	vadd.s32 v3, v9;
	_ =	sdelay $0x3  }
0x1a: {  	[tilespmem:$0x1C000] =	vst v7  }
0x1b: {  	[tilespmem:s4], [sflag:$0x1] =	stream.indirect_vreg.gather [hbm4b:s1+s4], $0x80, v9, vm0, $0xb8;
	[tilespmem:$0x1C180] =	vst v63  }
0x1c: {  	s16 =	simm.s32 $0x800;
	v7 =	vperm.xlane v8, v4  }
0x1d: {  	[tilespmem:s16], [sflag:$0x1] =	stream.indirect_vreg.gather [hbm4b:s6+s4], $0x80, v9, vm0, $0xb8;
	[tilespmem:$0x1C180] =	vst v63  }
0x1e: {  	s17 =	simm.s32 $0x1000;
	v7 =	vadd.s32 v3, v7  }
0x1f: {  	[tilespmem:s17], [sflag:$0x1] =	stream.indirect_vreg.gather [hbm4b:s8+s4], $0x80, v9, vm0, $0xb8;
	[tilespmem:$0x1C180] =	vst v63  }
0x20: {  	s18 =	simm.s32 $0x1800  }
0x21: {  	[tilespmem:s18], [sflag:$0x1] =	stream.indirect_vreg.gather [hbm4b:s9+s4], $0x80, v9, vm0, $0xb8;
	[tilespmem:$0x1C180] =	vst v63  }
0x22: {  	s19 =	simm.s32 $0x2000  }
0x23: {  	[tilespmem:s19], [sflag:$0x1] =	stream.indirect_vreg.gather [hbm4b:s1+s4], $0x80, v7, vm0, $0xb8;
	[tilespmem:$0x1C180] =	vst v63  }
0x24: {  	s20 =	simm.s32 $0x2800  }
0x25: {  	[tilespmem:s20], [sflag:$0x1] =	stream.indirect_vreg.gather [hbm4b:s6+s4], $0x80, v7, vm0, $0xb8;
	[tilespmem:$0x1C180] =	vst v63  }
0x26: {  	s21 =	simm.s32 $0x3000  }
0x27: {  	[tilespmem:s21], [sflag:$0x1] =	stream.indirect_vreg.gather [hbm4b:s8+s4], $0x80, v7, vm0, $0xb8;
	[tilespmem:$0x1C180] =	vst v63  }
0x28: {  	s22 =	simm.s32 $0x3800  }
0x29: {  	[tilespmem:s22], [sflag:$0x1] =	stream.indirect_vreg.gather [hbm4b:s9+s4], $0x80, v7, vm0, $0xb8;
	[tilespmem:$0x1C180] =	vst v63  }
0x2a: {  	s23 =	simm.s32 $0x8000  }
0x2b: {  	[tilespmem:s23], [sflag:$0x3] =	stream.linear.gather [hbm4b:s7+s4], $0x4000, $0x38;
	[tilespmem:$0x1C180] =	vst v63  }
0x2c: {  	s25 =	simm.s32 $0xC000;
	s24 =	rddreg [dreg:$0x5]  }
0x2d: {  	[tilespmem:s25], [sflag:$0x4] =	stream.linear.gather [hbm4b:s24+s4], $0x4000, $0x38;
	[tilespmem:$0x1C180] =	vst v63  }
0x2e: {  	s31 =	simm.s32 $0x10000;
	s30 =	simm.s32 $0x0  }
0x2f: {  	[tilespmem:s31], [sflag:$0x5] =	stream.linear.gather [hbm4b:s11+s4], $0x4000, $0x38;
	[tilespmem:$0x1C180] =	vst v63  }
.LBB2_2:
0x30: {  	s0 =	sand.u32 $0x3, s30  }
0x31: {  	p0 =	sne.s32 s0, $0x0  }
.Ltmp0:
0x32: {  	_ = 	snop;
	(pc) =	sbr.rel @p0 .LBB2_5-.Ltmp0, $3  }
0x33: {  	_ =	sdelay $0x1  }
0x34: {  	s2 =	sshrl.u32 s30, $0x2  }
0x35: {  	s31 =	sand.u32 $0x1, s30;
	s3 =	sand.u32 $0x1, s2  }
0x36: {  	p0 =	sgt.u32 s30, $0x1B  }
.Ltmp1:
0x37: {  	_ = 	snop;
	(pc) =	sbr.rel @p0 .LBB2_6-.Ltmp1, $4  }
0x38: {  	s14 =	sadd.s32 $0x1, s3  }
0x39: {  	_ =	swait.ge [sflag:s14], $0x4000  }
0x3a: {  	[sflag:s14] =	ssyncset.done $0x0  }
0x3b: {  	[sflag:s14] =	ssyncadd.s32 $0xFFFFC000  }
0x3c: {  	s14 =	sadd.s32 $0x1, s2  }
0x3d: {  	s16 =	sshll.u32 s14, $0x4  }
0x3e: {  	s16 =	sadd.s32 s5, s16  }
0x3f: {  	v7 =	vadd.s32 s16, v5  }
0x40: {  	v8 =	vshll.u32 v7, $0x3  }
0x41: {  	v8 =	vand.u32 $0xFFFFFFC0, v8  }
0x42: {  	v8 =	vor.u32 v6, v8  }
0x43: {  	v9 =	vperm.xlane v8, v2;
	_ =	sdelay $0x1  }
0x44: {  	v9 =	vadd.s32 v3, v9;
	_ =	sdelay $0x1  }
0x45: {  	s14 =	sand.u32 $0x1, s14  }
0x46: {  	s19 =	sshll.u32 s14, $0x7  }
0x47: {  	s20 =	sshll.u32 s14, $0xE;
	s14 =	sadd.s32 $0x1, s14;
	[tilespmem:s19+$0x1C000] =	vst v7  }
0x48: {  	[tilespmem:s20], [sflag:s14] =	stream.indirect_vreg.gather [hbm4b:s1+s4], $0x80, v9, vm0, $0xb8;
	[tilespmem:$0x1C180] =	vst v63  }
0x49: {  	s17 =	sor.u32 $0x800, s20;
	v7 =	vperm.xlane v8, v4  }
0x4a: {  	[tilespmem:s17], [sflag:s14] =	stream.indirect_vreg.gather [hbm4b:s6+s4], $0x80, v9, vm0, $0xb8;
	[tilespmem:$0x1C180] =	vst v63  }
0x4b: {  	s21 =	sor.u32 $0x1000, s20;
	v7 =	vadd.s32 v3, v7  }
0x4c: {  	[tilespmem:s21], [sflag:s14] =	stream.indirect_vreg.gather [hbm4b:s8+s4], $0x80, v9, vm0, $0xb8;
	[tilespmem:$0x1C180] =	vst v63  }
0x4d: {  	s22 =	sor.u32 $0x1800, s20  }
0x4e: {  	[tilespmem:s22], [sflag:s14] =	stream.indirect_vreg.gather [hbm4b:s9+s4], $0x80, v9, vm0, $0xb8;
	[tilespmem:$0x1C180] =	vst v63  }
0x4f: {  	s23 =	sor.u32 $0x2000, s20  }
0x50: {  	[tilespmem:s23], [sflag:s14] =	stream.indirect_vreg.gather [hbm4b:s1+s4], $0x80, v7, vm0, $0xb8;
	[tilespmem:$0x1C180] =	vst v63  }
0x51: {  	s24 =	sor.u32 $0x2800, s20  }
0x52: {  	[tilespmem:s24], [sflag:s14] =	stream.indirect_vreg.gather [hbm4b:s6+s4], $0x80, v7, vm0, $0xb8;
	[tilespmem:$0x1C180] =	vst v63  }
0x53: {  	s25 =	sor.u32 $0x3000, s20  }
0x54: {  	[tilespmem:s25], [sflag:s14] =	stream.indirect_vreg.gather [hbm4b:s8+s4], $0x80, v7, vm0, $0xb8;
	[tilespmem:$0x1C180] =	vst v63  }
0x55: {  	s16 =	sor.u32 $0x3800, s20  }
0x56: {  	[tilespmem:s16], [sflag:s14] =	stream.indirect_vreg.gather [hbm4b:s9+s4], $0x80, v7, vm0, $0xb8;
	[tilespmem:$0x1C180] =	vst v63  }
.LBB2_5:
0x57: {  	p0 =	slt.u32 s30, $0x2  }
.Ltmp2:
0x58: {  	_ = 	snop;
	(pc) =	sbr.rel @p0 .LBB2_7-.Ltmp2, $1  }
0x59: {  	_ =	sdelay $0x3  }
.LBB2_6:
0x5a: {  	s14 =	sor.u32 $0x6, s31  }
0x5b: {  	_ =	swait.ge [sflag:s14], $0x4000  }
0x5c: {  	[sflag:s14] =	ssyncset.done $0x0  }
0x5d: {  	[sflag:s14] =	ssyncadd.s32 $0xFFFFC000  }
.LBB2_7:
0x5e: {  	s14 =	smul.u32 $0xAB, s30;
	_ =	sdelay $0x1  }
0x5f: {  	s14 =	sshrl.u32 s14, $0x9  }
0x60: {  	s14 =	sand.u32 $0x7F, s14  }
0x61: {  	s14 =	smul.u32 $0x3, s14  }
0x62: {  	s19 =	simm.s32 $0x0  }
0x63: {  	s16 =	sshll.u32 s3, $0xE;
	s18 =	simm.s32 $0x0;
	s14 =	ssub.s32 s30, s14  }
0x64: {  	s10 =	simm.s32 $0x0;
	s21 =	sand.u32 $0x2000, s19;
	s14 =	sand.u32 $0xFF, s14  }
0x65: {  	s22 =	sand.u32 $0x1C00, s18;
	s23 =	sand.u32 $0x380, s10;
	s17 =	sadd.s32 $0x3, s14  }
0x66: {  	s20 =	sadd.s32 s21, s16;
	s14 =	sshll.u32 s14, $0xE;
	_ =	swait.ge [sflag:s17], $0x4000  }
0x67: {  	s20 =	sadd.s32 s22, s20;
	s14 =	sadd.s32 $0x8000, s14;
	[sflag:s17] =	ssyncset.done $0x0  }
0x68: {  	s20 =	sadd.s32 s23, s20;
	s19 =	sadd.s32 s21, s14;
	[sflag:s17] =	ssyncadd.s32 $0xFFFFC000  }
0x69: {  	s19 =	sadd.s32 s22, s19;
	v10 =	vld [tilespmem:s20+$0x70]  }
0x6a: {  	s19 =	sadd.s32 s23, s19;
	v14 =	vld [tilespmem:s20+$0x0]  }
0x6b: {  	v7 =	vld [tilespmem:s19+$0x70]  }
0x6c: {  	v13 =	vld [tilespmem:s19+$0x0]  }
0x6d: {  	s24 =	sshll.u32 s31, $0xE;
	v11 =	vld [tilespmem:s20+$0x10]  }
0x6e: {  	s3 =	sadd.s32 $0x14000, s24;
	v8 =	vld [tilespmem:s19+$0x10]  }
0x6f: {  	s25 =	sadd.s32 s21, s3;
	v12 =	vld [tilespmem:s20+$0x20]  }
0x70: {  	s17 =	sadd.s32 s22, s25;
	v9 =	vld [tilespmem:s19+$0x20];
	v10 =	vadd.f32 v10, v7  }
0x71: {  	s17 =	sadd.s32 s23, s17;
	v7 =	vld [tilespmem:s19+$0x30];
	v13 =	vadd.f32 v14, v13  }
0x72: {  	s21 =	simm.s32 $0x0;
	[tilespmem:s17+$0x70] =	vst v10;
	v10 =	vld [tilespmem:s20+$0x30]  }
.LBB2_8:
0x73: {  	s21 =	sadd.s32 $0x8, s21;
	[tilespmem:s17+$0x0] =	vst v13;
	v8 =	vadd.f32 v11, v8;
	v11 =	vld [tilespmem:s19+$0x40]  }
0x74: {  	s22 =	sshll.u32 s21, $0x4;
	p0 =	slt.u32 s21, $0x3F8;
	v13 =	vld [tilespmem:s20+$0x40]  }
0x75: {  	s18 =	sadd.s32 $0x400, s18;
	s22 =	sand.u32 $0x2000, s22;
	[tilespmem:s17+$0x10] =	vst v8;
	v8 =	vadd.f32 v12, v9;
	v9 =	vld [tilespmem:s19+$0x50]  }
0x76: {  	s23 =	sand.u32 $0x1C00, s18;
	s24 =	sshll.u32 s21, $0x1;
	s25 =	sadd.s32 s22, s14;
	v12 =	vld [tilespmem:s20+$0x50]  }
0x77: {  	s24 =	sand.u32 $0x380, s24;
	s10 =	sadd.s32 s22, s16;
	s25 =	sadd.s32 s23, s25;
	[tilespmem:s17+$0x20] =	vst v8;
	v7 =	vadd.f32 v10, v7;
	v10 =	vld [tilespmem:s19+$0x60]  }
0x78: {  	s10 =	sadd.s32 s23, s10;
	s19 =	sadd.s32 s24, s25;
	v14 =	vld [tilespmem:s20+$0x60]  }
0x79: {  	s20 =	sadd.s32 s24, s10;
	v15 =	vld [tilespmem:s19+$0x70];
	[tilespmem:s17+$0x30] =	vst v7;
	v7 =	vadd.f32 v13, v11  }
0x7a: {  	v13 =	vld [tilespmem:s20+$0x70]  }
0x7b: {  	v16 =	vld [tilespmem:s19+$0x0];
	[tilespmem:s17+$0x40] =	vst v7;
	v7 =	vadd.f32 v12, v9  }
0x7c: {  	v17 =	vld [tilespmem:s20+$0x0]  }
0x7d: {  	v8 =	vld [tilespmem:s19+$0x10];
	[tilespmem:s17+$0x50] =	vst v7;
	v7 =	vadd.f32 v14, v10  }
.Ltmp3:
0x7e: {  	s10 =	sadd.s32 s22, s3;
	v11 =	vld [tilespmem:s20+$0x10];
	(pc) =	sbr.rel @p0 .LBB2_8-.Ltmp3, $4  }
0x7f: {  	s10 =	sadd.s32 s23, s10;
	v9 =	vld [tilespmem:s19+$0x20];
	v10 =	vadd.f32 v13, v15;
	[tilespmem:s17+$0x60] =	vst v7  }
0x80: {  	s17 =	sadd.s32 s24, s10;
	v12 =	vld [tilespmem:s20+$0x20]  }
0x81: {  	v13 =	vadd.f32 v17, v16;
	v7 =	vld [tilespmem:s19+$0x30];
	[tilespmem:s17+$0x70] =	vst v10  }
0x82: {  	v10 =	vld [tilespmem:s20+$0x30]  }
0x83: {  	v14 =	vld [tilespmem:s19+$0x40]  }
0x84: {  	v15 =	vld [tilespmem:s20+$0x40]  }
0x85: {  	v16 =	vld [tilespmem:s19+$0x50]  }
0x86: {  	v17 =	vld [tilespmem:s20+$0x50]  }
0x87: {  	v18 =	vld [tilespmem:s19+$0x60]  }
0x88: {  	v8 =	vadd.f32 v11, v8;
	v63 =	vld [tilespmem:s20+$0x60]  }
0x89: {  	[tilespmem:s17+$0x0] =	vst v13;
	p0 =	sgt.u32 s30, $0x1C;
	v9 =	vadd.f32 v12, v9  }
0x8a: {  	s10 =	sadd.s32 @!p0 $0x3, s30;
	[tilespmem:s17+$0x10] =	vst v8;
	v7 =	vadd.f32 v10, v7  }
0x8b: {  	s14 =	smul.u32 @!p0 $0xAB, s10;
	[tilespmem:s17+$0x20] =	vst v9;
	v8 =	vadd.f32 v15, v14  }
0x8c: {  	[tilespmem:s17+$0x30] =	vst v7;
	v7 =	vadd.f32 v17, v16  }
0x8d: {  	s2 =	sshll.u32 s2, $0xB;
	s0 =	sshll.u32 s0, $0x13;
	s14 =	sshrl.u32 @!p0 s14, $0x9;
	[tilespmem:s17+$0x40] =	vst v8;
	v8 =	vadd.f32 v63, v18  }
0x8e: {  	s16 =	sor.u32 $0x6, s31;
	s2 =	sadd.s32 s2, s12;
	s14 =	sand.u32 @!p0 $0x7F, s14;
	[tilespmem:s17+$0x50] =	vst v7  }
0x8f: {  	s30 =	sadd.s32 $0x1, s30;
	s0 =	sadd.s32 s0, s2;
	s2 =	smul.u32 @!p0 $0x3, s14;
	[tilespmem:s17+$0x60] =	vst v8  }
0x90: {  	[hbm4b:s0+s4] =	stream.linear.scatter [tilespmem:s3], [sflag:s16], $0x4000, $0x38;
	[tilespmem:$0x1C180] =	vst v63  }
0x91: {  	s0 =	ssub.s32 @!p0 s10, s2;
	s2 =	sshll.u32 @!p0 s10, $0x13;
	s3 =	sshll.u32 @!p0 s10, $0x9  }
0x92: {  	s0 =	sand.u32 @!p0 $0xFF, s0;
	s2 =	sand.u32 @!p0 $0x180000, s2;
	s3 =	sand.u32 @!p0 $0x7800, s3  }
0x93: {  	s10 =	sshll.u32 @!p0 s0, $0xE;
	s2 =	sadd.s32 @!p0 s2, s7;
	s0 =	sadd.s32 @!p0 $0x3, s0  }
0x94: {  	s10 =	sadd.s32 @!p0 $0x8000, s10;
	s2 =	sadd.s32 @!p0 s3, s2;
	s3 =	simm.s32 @!p0 $0x0  }
0x95: {  	[tilespmem:s10], [sflag:s0] =	stream.linear.gather @!p0 [hbm4b:s2+s3], $0x4000, $0x38;
	[tilespmem:$0x1C180] =	vst v63  }
0x96: {  	p0 =	sne.s32 s30, $0x20  }
.Ltmp4:
0x97: {  	_ = 	snop;
	(pc) =	sbr.rel @p0 .LBB2_2-.Ltmp4, $1  }
0x98: {  	_ =	sdelay $0x3  }
0x99: {  	s29 =	sadd.s32 $0x1, s29  }
0x9a: {  	_ =	swait.ge [sflag:s26], $0x4000;
	p0 =	sne.s32 s29, s13  }
.Ltmp5:
0x9b: {  	[sflag:s26] =	ssyncset.done $0x0;
	(pc) =	sbr.rel @p0 .LBB2_1-.Ltmp5, $4  }
0x9c: {  	[sflag:s26] =	ssyncadd.s32 $0xFFFFC000  }
0x9d: {  	_ =	swait.ge [sflag:s28], $0x4000  }
0x9e: {  	[sflag:s28] =	ssyncset.done $0x0  }
0x9f: {  	[sflag:s28] =	ssyncadd.s32 $0xFFFFC000  }
0xa0: {  	_ =	sfence.sel $0x180000  }
0xa1: {  	[bflag:$0x0] =	sbarrier.arrive $0xFFFF  }
0xa2: {  	_ =	strace $0x90000047  }
0xa3: {  	s0 =	stileid.u32;
	[bflag:$0x2] =	sbarrier.arrive $0xFFFF  }
0xa4: {  	p0 =	sne.s32 s0, $0x0;
	s0 =	rddreg [dreg:$0x4]  }
0xa5: {  	s0 =	sadd.s32 @!p0 $0x100000, s0  }
0xa6: {  	[sflag:s0] =	ssyncadd.tile.s32 @!p0 $0x1;
	_ =	shalt  }
.Lfunc_end2:
_tile_overlayer_lowered:
.L_overlay_start_2:
0xa7: {  	(tag) =	ssettag $0x2  }
0xa8: {  	s0 =	rddreg [dreg:$0x0];
	s2 =	stileid.u32  }
0xa9: {  	s1 =	rddreg [dreg:$0x1];
	p0 =	sne.s32 s2, $0x0  }
0xaa: {  	s3 =	rddreg [dreg:$0x2];
	[bflag:$0x3] =	sbarrier.arrive $0xFFFF;
	s2 =	simm.s32 @!p0 $0x1C08  }
0xab: {  	[timem:s3], [sflag:s2] =	dma.local @!p0 [hbm:s0], s1  }
0xac: {  	s0 =	simm.s32 @!p0 $0x8  }
0xad: {  	_ =	swait.ge @!p0 [sflag:s0], s1  }
0xae: {  	s1 =	ssub.s32 @!p0 $0x0, s1;
	[sflag:s0] =	ssyncset.done @!p0 $0x0  }
0xaf: {  	[sflag:s0] =	ssyncadd.s32 @!p0 s1  }
0xb0: {  	[bflag:$0x3] =	sbarrier.arrive $0xFFFF  }
0xb1: {  	_ =	shalt  }

</sc_bundles>
